<compile_context>
chip_gen: v7x
topology: tpu7x:2x2x1
jax: 0.10.2.dev20260603
libtpu: 0.0.44.dev20260713+nightly
codegen_flags: <defaults>
</compile_context>

<pallas_src>
import jax
import jax.numpy as jnp
from jax import lax
from jax.experimental import pallas as pl
from jax.experimental.pallas import tpu as pltpu
from jax.experimental.pallas import tpu_sc as plsc

NUM_E = 8192
DIM = 256
BETA = 0.25
N_TOK = 16384
HALF = N_TOK // 2


BM = 1024
CHW = 2816
NCH = 3
CH_BASE = (0, 2736, 5472)
BIG = 2 ** 30


def _argmin_body(z_ref, embT_ref, idx_ref, en_ref):
    @pl.when(pl.program_id(0) == 0)
    def _():
        e_all = embT_ref[...]
        en_ref[...] = jnp.sum(e_all * e_all, axis=0, keepdims=True)

    z = z_ref[...]
    a = jnp.sum(z * z, axis=1, keepdims=True)
    z2 = z * 2.0
    acc_v = jnp.full((BM, 1), jnp.inf, jnp.float32)
    acc_i = jnp.full((BM, 1), BIG, jnp.int32)
    io = lax.broadcasted_iota(jnp.int32, (BM, CHW), 1).astype(jnp.float32)
    for c in range(NCH):
        e = embT_ref[:, c * CHW:(c + 1) * CHW]
        p2 = jnp.dot(z2, e, preferred_element_type=jnp.float32)
        en = en_ref[:, c * CHW:(c + 1) * CHW]
        d = (a - p2) + en
        m = jnp.min(d, axis=1, keepdims=True)
        li_f = jnp.min(jnp.where(d == m, io, float(BIG)), axis=1, keepdims=True)
        li = li_f.astype(jnp.int32) + CH_BASE[c]
        take = (m < acc_v) | ((m == acc_v) & (li < acc_i))
        acc_i = jnp.where(take, li, acc_i)
        acc_v = jnp.where(take, m, acc_v)
        acc_v = acc_v.astype(jnp.bfloat16).astype(jnp.float32)
    idx_ref[...] = acc_i


def _compute_indices(z, embT_pad, row_off, n_rows):
    ob = row_off // BM
    return pl.pallas_call(
        _argmin_body,
        grid=(n_rows // BM,),
        in_specs=[
            pl.BlockSpec((BM, DIM), lambda i: (i + ob, 0)),
            pl.BlockSpec((DIM, NCH * CHW), lambda i: (0, 0)),
        ],
        out_specs=pl.BlockSpec((BM, 1), lambda i: (i, 0)),
        out_shape=jax.ShapeDtypeStruct((n_rows, 1), jnp.int32),
        scratch_shapes=[pltpu.VMEM((1, NCH * CHW), jnp.float32)],
        compiler_params=pltpu.CompilerParams(dimension_semantics=("arbitrary",)),
    )(z, embT_pad)


def _pad_codebook(emb):
    pad = jnp.full((80, DIM), 100.0, jnp.float32)
    pad2 = jnp.full((96, DIM), 100.0, jnp.float32)
    return jnp.concatenate(
        [emb[0:2736], pad, emb[2736:5472], pad, emb[5472:8192], pad2], axis=0).T



_NW = 32
_GCH = 128


def _make_gather_body(n_rows):
    rows_per_w = n_rows // _NW
    nch = rows_per_w // _GCH

    def body(emb_hbm, idx_hbm, out_hbm, idx_v, rows_v, sem):
        wid = lax.axis_index("s") * 2 + lax.axis_index("c")

        @pl.loop(0, nch)
        def _(cc):
            base = wid * rows_per_w + cc * _GCH
            pltpu.sync_copy(idx_hbm.at[pl.ds(base, _GCH)], idx_v)
            pltpu.async_copy(emb_hbm.at[idx_v], rows_v, sem).wait()
            pltpu.sync_copy(rows_v, out_hbm.at[pl.ds(base, _GCH)])

    return body


def _gather_rows(emb, idx_flat):
    n_rows = idx_flat.shape[0]
    k = pl.kernel(
        _make_gather_body(n_rows),
        out_type=jax.ShapeDtypeStruct((n_rows, DIM), jnp.float32),
        mesh=plsc.VectorSubcoreMesh(core_axis_name="c", subcore_axis_name="s"),
        scratch_types=[
            pltpu.VMEM((_GCH,), jnp.int32),
            pltpu.VMEM((_GCH, DIM), jnp.float32),
            pltpu.SemaphoreType.DMA,
        ],
    )
    return k(emb, idx_flat)



BM2 = 2048


def _st_body_a(z_ref, g_ref, st_ref, ls_ref):
    z = z_ref[...]
    g = g_ref[...]
    dlt = g - z
    st_ref[...] = z + dlt
    sq = dlt * dlt
    ls_ref[0] = jnp.sum(sq, axis=0, keepdims=True).sum(axis=1, keepdims=True)


def _st_loss(z, g):
    nblk = N_TOK // BM2
    return pl.pallas_call(
        _st_body_a,
        grid=(nblk,),
        in_specs=[
            pl.BlockSpec((BM2, DIM), lambda i: (i, 0)),
            pl.BlockSpec((BM2, DIM), lambda i: (i, 0)),
        ],
        out_specs=[
            pl.BlockSpec((BM2, DIM), lambda i: (i, 0)),
            pl.BlockSpec((1, 1, 1), lambda i: (i, 0, 0)),
        ],
        out_shape=[
            jax.ShapeDtypeStruct((N_TOK, DIM), jnp.float32),
            jax.ShapeDtypeStruct((nblk, 1, 1), jnp.float32),
        ],
        compiler_params=pltpu.CompilerParams(dimension_semantics=("arbitrary",)),
    )(z, g)




def kernel(z_e, emb):
    b, d, h, w = z_e.shape
    z = jnp.transpose(z_e, (0, 2, 3, 1)).reshape(-1, d)
    embT_pad = _pad_codebook(emb)

    idx2 = _compute_indices(z, embT_pad, 0, N_TOK)
    idx_flat = idx2[:, 0]
    g = _gather_rows(emb, idx_flat)

    st, part = _st_loss(z, g)
    total = jnp.sum(part)
    m = total / (b * d * h * w)
    vq_loss = m + BETA * m
    z_q_st = jnp.transpose(st.reshape(b, h, w, d), (0, 3, 1, 2))
    return (z_q_st, vq_loss, idx_flat.reshape(b, h, w))

# --- scband reference (transcript-rebuilt; emitter-appended) ---
"""Pipeline reference for scband-vector-quantizer-79276506349613 (READ-ONLY COPY).

The authoritative reference and input builder live on the scoring server;
editing this copy changes nothing except your own understanding.
"""

import jax, jax.numpy as jnp
import numpy as np

NUM_EMBEDDINGS = 8192
EMBEDDING_DIM = 256
BETA = 0.25


def setup_inputs(seed: int = 0) -> dict:
    key = jax.random.key(seed)
    k1, k2 = jax.random.split(key)
    z_e = jax.random.normal(k1, (16, 256, 32, 32), dtype=jnp.float32)
    emb = jax.random.uniform(
        k2,
        (NUM_EMBEDDINGS, EMBEDDING_DIM),
        dtype=jnp.float32,
        minval=-1.0 / NUM_EMBEDDINGS,
        maxval=1.0 / NUM_EMBEDDINGS,
    )
    return {"z_e": z_e, "emb": emb}


def reference(z_e, emb):
    b, d, h, w = z_e.shape
    z = jnp.transpose(z_e, (0, 2, 3, 1)).reshape(-1, d)
    dist = (
        jnp.sum(z ** 2, axis=1, keepdims=True)
        - 2.0 * (z @ emb.T)
        + jnp.sum(emb ** 2, axis=1, keepdims=True).T
    )
    indices = jnp.argmin(dist, axis=1)
    z_q = jnp.transpose(emb[indices].reshape(b, h, w, d), (0, 3, 1, 2))
    codebook_loss = jnp.mean((z_q - jax.lax.stop_gradient(z_e)) ** 2)
    commitment_loss = jnp.mean((z_e - jax.lax.stop_gradient(z_q)) ** 2)
    vq_loss = codebook_loss + BETA * commitment_loss
    z_q_st = z_e + jax.lax.stop_gradient(z_q - z_e)
    return (z_q_st, vq_loss, indices.reshape(b, h, w))

if __name__ == "__main__":
    import jax
    _d = setup_inputs()
    print(jax.jit(kernel)(*tuple(_d.values())))

</pallas_src>

<mosaic_0001>
#map = affine_map<(d0, d1) -> (0, 0)>
#map1 = affine_map<(d0, d1) -> (0)>
module attributes {stable_mosaic.version = 14 : i64} {
  func.func @body(%arg0: i32, %arg1: i32, %arg2: memref<8192x256xf32, #tpu.memory_space<hbm>>, %arg3: memref<16384xi32, #tpu.memory_space<hbm>>, %arg4: memref<16384x256xf32, #tpu.memory_space<hbm>>, %arg5: memref<128xi32, #tpu.memory_space<vmem>>, %arg6: memref<128x256xf32, #tpu.memory_space<vmem>>, %arg7: memref<!tpu.dma_semaphore, #tpu.memory_space<semaphore_mem>>) attributes {dimension_semantics = [#tpu.dimension_semantics<core_parallel>, #tpu.dimension_semantics<subcore_parallel>], iteration_bounds = array<i64: 2, 16>, scalar_prefetch = 0 : i64, scratch_operands = 3 : i64, tpu.core_type = #tpu.core_type<sc_vector_subcore>, window_params = [{transform_indices = #map}, {transform_indices = #map1}, {transform_indices = #map}]} {
    %mul3A = arith.constant 2 : i32
    %mul3A_0 = arith.muli %arg1, %mul3A : i32
    %add3A = arith.addi %mul3A_0, %arg0 : i32
    %scan3A = arith.constant 0 : i32
    %scan3A_1 = arith.constant 4 : i32
    %scan3A_2 = arith.addi %scan3A, %scan3A_1 : i32
    %scan3A_3 = arith.constant 1 : i32
    scf.for %scan3A_5 = %scan3A to %scan3A_2 step %scan3A_3  : i32 {
      %mul3A_6 = arith.constant 1 : i32
      %mul3A_7 = arith.muli %scan3A_5, %mul3A_6 : i32
      %add3A_8 = arith.constant 0 : i32
      %add3A_9 = arith.addi %add3A_8, %mul3A_7 : i32
      %mul3A_10 = arith.constant 512 : i32
      %mul3A_11 = arith.muli %add3A, %mul3A_10 : i32
      %mul3A_12 = arith.constant 128 : i32
      %mul3A_13 = arith.muli %add3A_9, %mul3A_12 : i32
      %add3A_14 = arith.addi %mul3A_11, %mul3A_13 : i32
      "tpu.region"() ({
        %run_scoped3A = tpu.sem_alloc : memref<!tpu.dma_semaphore, #tpu.memory_space<semaphore_mem>>
        %dma_start3A_19 = tpu.memref_slice %arg3[%add3A_14] : memref<16384xi32, #tpu.memory_space<hbm>> -> memref<128xi32, #tpu.memory_space<hbm>>
        %dma_start3A_20 = tpu.memref_slice %arg3[%add3A_14] : memref<16384xi32, #tpu.memory_space<hbm>> -> memref<128xi32, #tpu.memory_space<hbm>>
        tpu.enqueue_dma source(%dma_start3A_20 : memref<128xi32, #tpu.memory_space<hbm>>) target(%arg5 : memref<128xi32, #tpu.memory_space<vmem>>) target_semaphore(%run_scoped3A : memref<!tpu.dma_semaphore, #tpu.memory_space<semaphore_mem>>)
        %dma_wait3A_21 = tpu.memref_slice %arg3[%add3A_14] : memref<16384xi32, #tpu.memory_space<hbm>> -> memref<128xi32, #tpu.memory_space<hbm>>
        %dma_wait3A_22 = tpu.memref_slice %arg3[%add3A_14] : memref<16384xi32, #tpu.memory_space<hbm>> -> memref<128xi32, #tpu.memory_space<hbm>>
        tpu.wait_dma2 semaphore(%run_scoped3A : memref<!tpu.dma_semaphore, #tpu.memory_space<semaphore_mem>>) src(%dma_wait3A_22 : memref<128xi32, #tpu.memory_space<hbm>>) dst(%arg5 : memref<128xi32, #tpu.memory_space<vmem>>)
        tpu.yield
      }) : () -> ()
      %dma_start3A = arith.constant 0 : i32
      %dma_start3A_15 = arith.constant 0 : i32
      %dma_start3A_16 = tpu.memref_slice %arg2[%dma_start3A, %dma_start3A_15] : memref<8192x256xf32, #tpu.memory_space<hbm>> -> memref<8192x256xf32, #tpu.memory_space<hbm>>
      tpu.enqueue_indirect_dma source(%dma_start3A_16 : memref<8192x256xf32, #tpu.memory_space<hbm>>) target(%arg6 : memref<128x256xf32, #tpu.memory_space<vmem>>) offsets(%arg5 : memref<128xi32, #tpu.memory_space<vmem>>) semaphore(%arg7 : memref<!tpu.dma_semaphore, #tpu.memory_space<semaphore_mem>>)
      %dma_wait3A = arith.constant 0 : i32
      %dma_wait3A_17 = arith.constant 0 : i32
      %dma_wait3A_18 = tpu.memref_slice %arg2[%dma_wait3A, %dma_wait3A_17] : memref<8192x256xf32, #tpu.memory_space<hbm>> -> memref<8192x256xf32, #tpu.memory_space<hbm>>
      tpu.wait_indirect_dma semaphore(%arg7 : memref<!tpu.dma_semaphore, #tpu.memory_space<semaphore_mem>>) src(%dma_wait3A_18 : memref<8192x256xf32, #tpu.memory_space<hbm>>) dst(%arg6 : memref<128x256xf32, #tpu.memory_space<vmem>>)
      "tpu.region"() ({
        %run_scoped3A = tpu.sem_alloc : memref<!tpu.dma_semaphore, #tpu.memory_space<semaphore_mem>>
        %dma_start3A_19 = arith.constant 0 : i32
        %dma_start3A_20 = tpu.memref_slice %arg4[%add3A_14, %dma_start3A_19] : memref<16384x256xf32, #tpu.memory_space<hbm>> -> memref<128x256xf32, #tpu.memory_space<hbm>>
        %dma_start3A_21 = arith.constant 0 : i32
        %dma_start3A_22 = tpu.memref_slice %arg4[%add3A_14, %dma_start3A_21] : memref<16384x256xf32, #tpu.memory_space<hbm>> -> memref<128x256xf32, #tpu.memory_space<hbm>>
        tpu.enqueue_dma source(%arg6 : memref<128x256xf32, #tpu.memory_space<vmem>>) target(%dma_start3A_22 : memref<128x256xf32, #tpu.memory_space<hbm>>) target_semaphore(%run_scoped3A : memref<!tpu.dma_semaphore, #tpu.memory_space<semaphore_mem>>)
        %dma_wait3A_23 = arith.constant 0 : i32
        %dma_wait3A_24 = tpu.memref_slice %arg4[%add3A_14, %dma_wait3A_23] : memref<16384x256xf32, #tpu.memory_space<hbm>> -> memref<128x256xf32, #tpu.memory_space<hbm>>
        %dma_wait3A_25 = arith.constant 0 : i32
        %dma_wait3A_26 = tpu.memref_slice %arg4[%add3A_14, %dma_wait3A_25] : memref<16384x256xf32, #tpu.memory_space<hbm>> -> memref<128x256xf32, #tpu.memory_space<hbm>>
        tpu.wait_dma2 semaphore(%run_scoped3A : memref<!tpu.dma_semaphore, #tpu.memory_space<semaphore_mem>>) src(%arg6 : memref<128x256xf32, #tpu.memory_space<vmem>>) dst(%dma_wait3A_26 : memref<128x256xf32, #tpu.memory_space<hbm>>)
        tpu.yield
      }) : () -> ()
    }
    %scan3A_4 = arith.constant 4 : i32
    return
  }
}

module attributes {stable_mosaic.version = 14 : i64} {
  func.func @_argmin_body(%arg0: i32, %arg1: memref<1024x256xf32, #tpu.memory_space<vmem>>, %arg2: memref<256x8448xf32, #tpu.memory_space<vmem>>, %arg3: memref<1024x1xi32, #tpu.memory_space<vmem>>, %arg4: memref<1x8448xf32, #tpu.memory_space<vmem>>) attributes {dimension_semantics = [#tpu.dimension_semantics<arbitrary>], iteration_bounds = array<i64: 16>, scalar_prefetch = 0 : i64, scratch_operands = 1 : i64, tpu.core_type = #tpu.core_type<tc>, window_params = [{transform_indices = @transform_0, window_bounds = array<i64: 1024, 256>}, {pipeline_mode = #tpu.pipeline_mode<synchronous>, transform_indices = @transform_1, window_bounds = array<i64: 256, 8448>}, {transform_indices = @transform_2, window_bounds = array<i64: 1024, 1>}]} {
    %eq3A = arith.constant 0 : i32
    %eq3A_0 = arith.cmpi eq, %arg0, %eq3A : i32
    %convert_element_type3A = arith.extui %eq3A_0 : i1 to i32
    %cond3A = arith.constant 0 : i32
    %cond3A_1 = arith.cmpi ne, %convert_element_type3A, %cond3A : i32
    scf.if %cond3A_1 {
      %get3A_111 = arith.constant 0 : index
      %get3A_112 = arith.constant 0 : index
      %get3A_113 = vector.load %arg2[%get3A_111, %get3A_112] : memref<256x8448xf32, #tpu.memory_space<vmem>>, vector<256x8448xf32>
      %mul3A_114 = arith.mulf %get3A_113, %get3A_113 : vector<256x8448xf32>
      %reduce_sum3A_115 = arith.constant dense<0.000000e+00> : vector<8448xf32>
      %reduce_sum3A_116 = vector.multi_reduction <add>, %mul3A_114, %reduce_sum3A_115 [0] : vector<256x8448xf32> to vector<8448xf32>
      %broadcast_in_dim3A_117 = vector.shape_cast %reduce_sum3A_116 : vector<8448xf32> to vector<1x8448xf32>
      %swap3A_118 = arith.constant 0 : index
      %swap3A_119 = arith.constant 0 : index
      %swap3A_120 = vector.load %arg4[%swap3A_118, %swap3A_119] : memref<1x8448xf32, #tpu.memory_space<vmem>>, vector<1x8448xf32>
      tpu.vector_store %arg4[%swap3A_118, %swap3A_119], %broadcast_in_dim3A_117 {strides = array<i32>} : memref<1x8448xf32, #tpu.memory_space<vmem>>, vector<1x8448xf32>,
    } else {
    }
    %get3A = arith.constant 0 : index
    %get3A_2 = arith.constant 0 : index
    %get3A_3 = vector.load %arg1[%get3A, %get3A_2] : memref<1024x256xf32, #tpu.memory_space<vmem>>, vector<1024x256xf32>
    %mul3A = arith.mulf %get3A_3, %get3A_3 : vector<1024x256xf32>
    %reduce_sum3A = arith.constant dense<0.000000e+00> : vector<1024xf32>
    %reduce_sum3A_4 = vector.multi_reduction <add>, %mul3A, %reduce_sum3A [1] : vector<1024x256xf32> to vector<1024xf32>
    %broadcast_in_dim3A = vector.shape_cast %reduce_sum3A_4 : vector<1024xf32> to vector<1024x1xf32>
    %mul3A_5 = arith.constant 2.000000e+00 : f32
    %mul3A_6 = vector.broadcast %mul3A_5 : f32 to vector<1024x256xf32>
    %mul3A_7 = arith.mulf %get3A_3, %mul3A_6 : vector<1024x256xf32>
    %broadcast_in_dim3A_8 = arith.constant 0x7F800000 : f32
    %broadcast_in_dim3A_9 = vector.broadcast %broadcast_in_dim3A_8 : f32 to vector<1024x1xf32>
    %broadcast_in_dim3A_10 = arith.constant 1073741824 : i32
    %broadcast_in_dim3A_11 = vector.broadcast %broadcast_in_dim3A_10 : i32 to vector<1024x1xi32>
    %iota3A = tpu.iota {dimensions = array<i32: 1>} : vector<1024x2816xi32>
    %convert_element_type3A_12 = arith.sitofp %iota3A : vector<1024x2816xi32> to vector<1024x2816xf32>
    %get3A_13 = arith.constant 0 : index
    %get3A_14 = arith.constant 0 : index
    %get3A_15 = vector.load %arg2[%get3A_13, %get3A_14] : memref<256x8448xf32, #tpu.memory_space<vmem>>, vector<256x2816xf32>
    %dot_general3A = arith.constant dense<0.000000e+00> : vector<1024x2816xf32>
    %dot_general3A_16 = tpu.matmul %mul3A_7, %get3A_15, %dot_general3A {dimension_numbers = #tpu.dot_dimension_numbers<[1], [0], [0], [1], [0, 0, 1, 1], [], []>, transpose_lhs_hint = false} : vector<1024x256xf32>, vector<256x2816xf32>, vector<1024x2816xf32> -> vector<1024x2816xf32>
    %get3A_17 = arith.constant 0 : index
    %get3A_18 = arith.constant 0 : index
    %get3A_19 = vector.load %arg4[%get3A_17, %get3A_18] : memref<1x8448xf32, #tpu.memory_space<vmem>>, vector<1x2816xf32>
    %sub3A = vector.broadcast %broadcast_in_dim3A : vector<1024x1xf32> to vector<1024x2816xf32>
    %sub3A_20 = arith.subf %sub3A, %dot_general3A_16 : vector<1024x2816xf32>
    %add3A = vector.broadcast %get3A_19 : vector<1x2816xf32> to vector<1024x2816xf32>
    %add3A_21 = arith.addf %sub3A_20, %add3A : vector<1024x2816xf32>
    %reduce_min3A = arith.constant dense<0x7F800000> : vector<1024xf32>
    %reduce_min3A_22 = vector.multi_reduction <minimumf>, %add3A_21, %reduce_min3A [1] : vector<1024x2816xf32> to vector<1024xf32>
    %broadcast_in_dim3A_23 = vector.shape_cast %reduce_min3A_22 : vector<1024xf32> to vector<1024x1xf32>
    %eq3A_24 = vector.broadcast %broadcast_in_dim3A_23 : vector<1024x1xf32> to vector<1024x2816xf32>
    %eq3A_25 = arith.cmpf oeq, %add3A_21, %eq3A_24 : vector<1024x2816xf32>
    %jit3A = arith.constant 1.07374182E+9 : f32
    %broadcast_in_dim3A_26 = vector.broadcast %jit3A : f32 to vector<1024x2816xf32>
    %select_n3A = arith.select %eq3A_25, %convert_element_type3A_12, %broadcast_in_dim3A_26 : vector<1024x2816xi1>, vector<1024x2816xf32>
    %reduce_min3A_27 = arith.constant dense<0x7F800000> : vector<1024xf32>
    %reduce_min3A_28 = vector.multi_reduction <minimumf>, %select_n3A, %reduce_min3A_27 [1] : vector<1024x2816xf32> to vector<1024xf32>
    %broadcast_in_dim3A_29 = vector.shape_cast %reduce_min3A_28 : vector<1024xf32> to vector<1024x1xf32>
    %convert_element_type3A_30 = arith.fptosi %broadcast_in_dim3A_29 : vector<1024x1xf32> to vector<1024x1xi32>
    %add3A_31 = arith.constant 0 : i32
    %add3A_32 = vector.broadcast %add3A_31 : i32 to vector<1024x1xi32>
    %add3A_33 = arith.addi %convert_element_type3A_30, %add3A_32 : vector<1024x1xi32>
    %lt3A = arith.cmpf olt, %broadcast_in_dim3A_23, %broadcast_in_dim3A_9 : vector<1024x1xf32>
    %eq3A_34 = arith.cmpf oeq, %broadcast_in_dim3A_23, %broadcast_in_dim3A_9 : vector<1024x1xf32>
    %lt3A_35 = arith.cmpi slt, %add3A_33, %broadcast_in_dim3A_11 : vector<1024x1xi32>
    %and3A = arith.andi %eq3A_34, %lt3A_35 : vector<1024x1xi1>
    %or3A = arith.ori %lt3A, %and3A : vector<1024x1xi1>
    %select_n3A_36 = arith.select %or3A, %add3A_33, %broadcast_in_dim3A_11 : vector<1024x1xi1>, vector<1024x1xi32>
    %select_n3A_37 = arith.select %or3A, %broadcast_in_dim3A_23, %broadcast_in_dim3A_9 : vector<1024x1xi1>, vector<1024x1xf32>
    %convert_element_type3A_38 = arith.truncf %select_n3A_37 : vector<1024x1xf32> to vector<1024x1xbf16>
    %convert_element_type3A_39 = arith.extf %convert_element_type3A_38 : vector<1024x1xbf16> to vector<1024x1xf32>
    %get3A_40 = arith.constant 0 : index
    %get3A_41 = arith.constant 2816 : index
    %get3A_42 = vector.load %arg2[%get3A_40, %get3A_41] : memref<256x8448xf32, #tpu.memory_space<vmem>>, vector<256x2816xf32>
    %dot_general3A_43 = arith.constant dense<0.000000e+00> : vector<1024x2816xf32>
    %dot_general3A_44 = tpu.matmul %mul3A_7, %get3A_42, %dot_general3A_43 {dimension_numbers = #tpu.dot_dimension_numbers<[1], [0], [0], [1], [0, 0, 1, 1], [], []>, transpose_lhs_hint = false} : vector<1024x256xf32>, vector<256x2816xf32>, vector<1024x2816xf32> -> vector<1024x2816xf32>
    %get3A_45 = arith.constant 0 : index
    %get3A_46 = arith.constant 2816 : index
    %get3A_47 = vector.load %arg4[%get3A_45, %get3A_46] : memref<1x8448xf32, #tpu.memory_space<vmem>>, vector<1x2816xf32>
    %sub3A_48 = vector.broadcast %broadcast_in_dim3A : vector<1024x1xf32> to vector<1024x2816xf32>
    %sub3A_49 = arith.subf %sub3A_48, %dot_general3A_44 : vector<1024x2816xf32>
    %add3A_50 = vector.broadcast %get3A_47 : vector<1x2816xf32> to vector<1024x2816xf32>
    %add3A_51 = arith.addf %sub3A_49, %add3A_50 : vector<1024x2816xf32>
    %reduce_min3A_52 = arith.constant dense<0x7F800000> : vector<1024xf32>
    %reduce_min3A_53 = vector.multi_reduction <minimumf>, %add3A_51, %reduce_min3A_52 [1] : vector<1024x2816xf32> to vector<1024xf32>
    %broadcast_in_dim3A_54 = vector.shape_cast %reduce_min3A_53 : vector<1024xf32> to vector<1024x1xf32>
    %eq3A_55 = vector.broadcast %broadcast_in_dim3A_54 : vector<1024x1xf32> to vector<1024x2816xf32>
    %eq3A_56 = arith.cmpf oeq, %add3A_51, %eq3A_55 : vector<1024x2816xf32>
    %jit3A_57 = arith.constant 1.07374182E+9 : f32
    %broadcast_in_dim3A_58 = vector.broadcast %jit3A_57 : f32 to vector<1024x2816xf32>
    %select_n3A_59 = arith.select %eq3A_56, %convert_element_type3A_12, %broadcast_in_dim3A_58 : vector<1024x2816xi1>, vector<1024x2816xf32>
    %reduce_min3A_60 = arith.constant dense<0x7F800000> : vector<1024xf32>
    %reduce_min3A_61 = vector.multi_reduction <minimumf>, %select_n3A_59, %reduce_min3A_60 [1] : vector<1024x2816xf32> to vector<1024xf32>
    %broadcast_in_dim3A_62 = vector.shape_cast %reduce_min3A_61 : vector<1024xf32> to vector<1024x1xf32>
    %convert_element_type3A_63 = arith.fptosi %broadcast_in_dim3A_62 : vector<1024x1xf32> to vector<1024x1xi32>
    %add3A_64 = arith.constant 2736 : i32
    %add3A_65 = vector.broadcast %add3A_64 : i32 to vector<1024x1xi32>
    %add3A_66 = arith.addi %convert_element_type3A_63, %add3A_65 : vector<1024x1xi32>
    %lt3A_67 = arith.cmpf olt, %broadcast_in_dim3A_54, %convert_element_type3A_39 : vector<1024x1xf32>
    %eq3A_68 = arith.cmpf oeq, %broadcast_in_dim3A_54, %convert_element_type3A_39 : vector<1024x1xf32>
    %lt3A_69 = arith.cmpi slt, %add3A_66, %select_n3A_36 : vector<1024x1xi32>
    %and3A_70 = arith.andi %eq3A_68, %lt3A_69 : vector<1024x1xi1>
    %or3A_71 = arith.ori %lt3A_67, %and3A_70 : vector<1024x1xi1>
    %select_n3A_72 = arith.select %or3A_71, %add3A_66, %select_n3A_36 : vector<1024x1xi1>, vector<1024x1xi32>
    %select_n3A_73 = arith.select %or3A_71, %broadcast_in_dim3A_54, %convert_element_type3A_39 : vector<1024x1xi1>, vector<1024x1xf32>
    %convert_element_type3A_74 = arith.truncf %select_n3A_73 : vector<1024x1xf32> to vector<1024x1xbf16>
    %convert_element_type3A_75 = arith.extf %convert_element_type3A_74 : vector<1024x1xbf16> to vector<1024x1xf32>
    %get3A_76 = arith.constant 0 : index
    %get3A_77 = arith.constant 5632 : index
    %get3A_78 = vector.load %arg2[%get3A_76, %get3A_77] : memref<256x8448xf32, #tpu.memory_space<vmem>>, vector<256x2816xf32>
    %dot_general3A_79 = arith.constant dense<0.000000e+00> : vector<1024x2816xf32>
    %dot_general3A_80 = tpu.matmul %mul3A_7, %get3A_78, %dot_general3A_79 {dimension_numbers = #tpu.dot_dimension_numbers<[1], [0], [0], [1], [0, 0, 1, 1], [], []>, transpose_lhs_hint = false} : vector<1024x256xf32>, vector<256x2816xf32>, vector<1024x2816xf32> -> vector<1024x2816xf32>
    %get3A_81 = arith.constant 0 : index
    %get3A_82 = arith.constant 5632 : index
    %get3A_83 = vector.load %arg4[%get3A_81, %get3A_82] : memref<1x8448xf32, #tpu.memory_space<vmem>>, vector<1x2816xf32>
    %sub3A_84 = vector.broadcast %broadcast_in_dim3A : vector<1024x1xf32> to vector<1024x2816xf32>
    %sub3A_85 = arith.subf %sub3A_84, %dot_general3A_80 : vector<1024x2816xf32>
    %add3A_86 = vector.broadcast %get3A_83 : vector<1x2816xf32> to vector<1024x2816xf32>
    %add3A_87 = arith.addf %sub3A_85, %add3A_86 : vector<1024x2816xf32>
    %reduce_min3A_88 = arith.constant dense<0x7F800000> : vector<1024xf32>
    %reduce_min3A_89 = vector.multi_reduction <minimumf>, %add3A_87, %reduce_min3A_88 [1] : vector<1024x2816xf32> to vector<1024xf32>
    %broadcast_in_dim3A_90 = vector.shape_cast %reduce_min3A_89 : vector<1024xf32> to vector<1024x1xf32>
    %eq3A_91 = vector.broadcast %broadcast_in_dim3A_90 : vector<1024x1xf32> to vector<1024x2816xf32>
    %eq3A_92 = arith.cmpf oeq, %add3A_87, %eq3A_91 : vector<1024x2816xf32>
    %jit3A_93 = arith.constant 1.07374182E+9 : f32
    %broadcast_in_dim3A_94 = vector.broadcast %jit3A_93 : f32 to vector<1024x2816xf32>
    %select_n3A_95 = arith.select %eq3A_92, %convert_element_type3A_12, %broadcast_in_dim3A_94 : vector<1024x2816xi1>, vector<1024x2816xf32>
    %reduce_min3A_96 = arith.constant dense<0x7F800000> : vector<1024xf32>
    %reduce_min3A_97 = vector.multi_reduction <minimumf>, %select_n3A_95, %reduce_min3A_96 [1] : vector<1024x2816xf32> to vector<1024xf32>
    %broadcast_in_dim3A_98 = vector.shape_cast %reduce_min3A_97 : vector<1024xf32> to vector<1024x1xf32>
    %convert_element_type3A_99 = arith.fptosi %broadcast_in_dim3A_98 : vector<1024x1xf32> to vector<1024x1xi32>
    %add3A_100 = arith.constant 5472 : i32
    %add3A_101 = vector.broadcast %add3A_100 : i32 to vector<1024x1xi32>
    %add3A_102 = arith.addi %convert_element_type3A_99, %add3A_101 : vector<1024x1xi32>
    %lt3A_103 = arith.cmpf olt, %broadcast_in_dim3A_90, %convert_element_type3A_75 : vector<1024x1xf32>
    %eq3A_104 = arith.cmpf oeq, %broadcast_in_dim3A_90, %convert_element_type3A_75 : vector<1024x1xf32>
    %lt3A_105 = arith.cmpi slt, %add3A_102, %select_n3A_72 : vector<1024x1xi32>
    %and3A_106 = arith.andi %eq3A_104, %lt3A_105 : vector<1024x1xi1>
    %or3A_107 = arith.ori %lt3A_103, %and3A_106 : vector<1024x1xi1>
    %select_n3A_108 = arith.select %or3A_107, %add3A_102, %select_n3A_72 : vector<1024x1xi1>, vector<1024x1xi32>
    %swap3A = arith.constant 0 : index
    %swap3A_109 = arith.constant 0 : index
    %swap3A_110 = vector.load %arg3[%swap3A, %swap3A_109] : memref<1024x1xi32, #tpu.memory_space<vmem>>, vector<1024x1xi32>
    tpu.vector_store %arg3[%swap3A, %swap3A_109], %select_n3A_108 {strides = array<i32>} : memref<1024x1xi32, #tpu.memory_space<vmem>>, vector<1024x1xi32>,
    return
  }
  func.func @transform_0(%arg0: i32) -> (i32, i32) {
    %add3A = arith.constant 0 : i32
    %add3A_0 = arith.addi %arg0, %add3A : i32
    %c0_i32 = arith.constant 0 : i32
    %c0_i32_1 = arith.constant 0 : i32
    return %add3A_0, %c0_i32 : i32, i32
  }
  func.func @transform_1(%arg0: i32) -> (i32, i32) {
    %c0_i32 = arith.constant 0 : i32
    %c0_i32_0 = arith.constant 0 : i32
    %c0_i32_1 = arith.constant 0 : i32
    return %c0_i32, %c0_i32_0 : i32, i32
  }
  func.func @transform_2(%arg0: i32) -> (i32, i32) {
    %c0_i32 = arith.constant 0 : i32
    %c0_i32_0 = arith.constant 0 : i32
    return %arg0, %c0_i32 : i32, i32
  }
}

module attributes {stable_mosaic.version = 14 : i64} {
  func.func @_st_body_a(%arg0: i32, %arg1: memref<2048x256xf32, #tpu.memory_space<vmem>>, %arg2: memref<2048x256xf32, #tpu.memory_space<vmem>>, %arg3: memref<2048x256xf32, #tpu.memory_space<vmem>>, %arg4: memref<1x1x1xf32, #tpu.memory_space<vmem>>) attributes {dimension_semantics = [#tpu.dimension_semantics<arbitrary>], iteration_bounds = array<i64: 8>, scalar_prefetch = 0 : i64, scratch_operands = 0 : i64, tpu.core_type = #tpu.core_type<tc>, window_params = [{transform_indices = @transform_0, window_bounds = array<i64: 2048, 256>}, {transform_indices = @transform_1, window_bounds = array<i64: 2048, 256>}, {transform_indices = @transform_2, window_bounds = array<i64: 2048, 256>}, {transform_indices = @transform_3, window_bounds = array<i64: 1, 1, 1>}]} {
    %get3A = arith.constant 0 : index
    %get3A_0 = arith.constant 0 : index
    %get3A_1 = vector.load %arg1[%get3A, %get3A_0] : memref<2048x256xf32, #tpu.memory_space<vmem>>, vector<2048x256xf32>
    %get3A_2 = arith.constant 0 : index
    %get3A_3 = arith.constant 0 : index
    %get3A_4 = vector.load %arg2[%get3A_2, %get3A_3] : memref<2048x256xf32, #tpu.memory_space<vmem>>, vector<2048x256xf32>
    %sub3A = arith.subf %get3A_4, %get3A_1 : vector<2048x256xf32>
    %add3A = arith.addf %get3A_1, %sub3A : vector<2048x256xf32>
    %swap3A = arith.constant 0 : index
    %swap3A_5 = arith.constant 0 : index
    %swap3A_6 = vector.load %arg3[%swap3A, %swap3A_5] : memref<2048x256xf32, #tpu.memory_space<vmem>>, vector<2048x256xf32>
    tpu.vector_store %arg3[%swap3A, %swap3A_5], %add3A {strides = array<i32>} : memref<2048x256xf32, #tpu.memory_space<vmem>>, vector<2048x256xf32>,
    %mul3A = arith.mulf %sub3A, %sub3A : vector<2048x256xf32>
    %reduce_sum3A = arith.constant dense<0.000000e+00> : vector<256xf32>
    %reduce_sum3A_7 = vector.multi_reduction <add>, %mul3A, %reduce_sum3A [0] : vector<2048x256xf32> to vector<256xf32>
    %broadcast_in_dim3A = vector.shape_cast %reduce_sum3A_7 : vector<256xf32> to vector<1x256xf32>
    %reduce_sum3A_8 = arith.constant dense<0.000000e+00> : vector<1xf32>
    %reduce_sum3A_9 = vector.multi_reduction <add>, %broadcast_in_dim3A, %reduce_sum3A_8 [1] : vector<1x256xf32> to vector<1xf32>
    %broadcast_in_dim3A_10 = vector.shape_cast %reduce_sum3A_9 : vector<1xf32> to vector<1x1xf32>
    %swap3A_11 = arith.constant 0 : index
    %swap3A_12 = arith.constant 0 : index
    %swap3A_13 = arith.constant 0 : index
    %swap3A_14 = vector.load %arg4[%swap3A_11, %swap3A_12, %swap3A_13] : memref<1x1x1xf32, #tpu.memory_space<vmem>>, vector<1x1x1xf32>
    %swap3A_15 = vector.shape_cast %swap3A_14 : vector<1x1x1xf32> to vector<1x1xf32>
    %swap3A_16 = vector.shape_cast %broadcast_in_dim3A_10 : vector<1x1xf32> to vector<1x1x1xf32>
    tpu.vector_store %arg4[%swap3A_11, %swap3A_12, %swap3A_13], %swap3A_16 {strides = array<i32>} : memref<1x1x1xf32, #tpu.memory_space<vmem>>, vector<1x1x1xf32>,
    return
  }
  func.func @transform_0(%arg0: i32) -> (i32, i32) {
    %c0_i32 = arith.constant 0 : i32
    %c0_i32_0 = arith.constant 0 : i32
    return %arg0, %c0_i32 : i32, i32
  }
  func.func @transform_1(%arg0: i32) -> (i32, i32) {
    %c0_i32 = arith.constant 0 : i32
    %c0_i32_0 = arith.constant 0 : i32
    return %arg0, %c0_i32 : i32, i32
  }
  func.func @transform_2(%arg0: i32) -> (i32, i32) {
    %c0_i32 = arith.constant 0 : i32
    %c0_i32_0 = arith.constant 0 : i32
    return %arg0, %c0_i32 : i32, i32
  }
  func.func @transform_3(%arg0: i32) -> (i32, i32, i32) {
    %c0_i32 = arith.constant 0 : i32
    %c0_i32_0 = arith.constant 0 : i32
    %c0_i32_1 = arith.constant 0 : i32
    return %arg0, %c0_i32, %c0_i32_0 : i32, i32, i32
  }
}

</mosaic_0001>

<sc_bundles>
// kernel: kernel.5.cloned.1.call-start
scs
__scs_entry_jumppad:
0x0: {  	(pc) =	sbr.rel $0x88, $3  }
0x1: {  	(tag) =	ssettag $0x0;
	lr =	simm.s32 $0x1  }
0x2: {  	[smem:$0x3F9F] =	sst lr;
	_ =	strace $0xD0000000  }
0x3: {  	_ = 	snop  }
0x4: {  	_ = 	snop  }
0x5: {  	_ = 	snop  }
0x6: {  	_ = 	snop  }
0x7: {  	_ = 	snop  }
__scs_overlays_trampoline_lowered:
0x8: {  	[smem:$0x3FAE] =	sst s0  }
0x9: {  	[smem:$0x3FAF] =	sst s1  }
0xa: {  	[smem:$0x3FB0] =	sst s2  }
0xb: {  	[smem:$0x3FB1] =	sst s3  }
0xc: {  	[smem:$0x3FB2] =	sst s4  }
0xd: {  	[smem:$0x3FB3] =	sst s5  }
0xe: {  	[smem:$0x3FB4] =	sst s6  }
0xf: {  	[smem:$0x3FB5] =	sst s7  }
0x10: {  	[smem:$0x3FB6] =	sst s8  }
0x11: {  	[smem:$0x3FB7] =	sst s9;
	s0 =	simm.s32 @!p0 $0x0  }
0x12: {  	s1 =	sld [smem:$0x3F9D];
	s0 =	simm.s32 @p0 $0x1  }
0x13: {  	[smem:$0x3FB8] =	sst s0;
	s0 =	simm.s32 @!p1 $0x0  }
0x14: {  	s2 =	sld [smem:$0x3F9C];
	s0 =	simm.s32 @p1 $0x1  }
0x15: {  	[smem:$0x3FB9] =	sst s0;
	s0 =	simm.s32 @!p2 $0x0  }
0x16: {  	s3 =	sld [smem:$0x3FDB];
	s0 =	simm.s32 @p2 $0x1  }
0x17: {  	s4 =	simm.s32 $0x1BF5;
	[smem:$0x3FBB] =	sst s0  }
0x18: {  	s0 =	sld [smem:$0x3F9E];
	_ =	swait.ge [sflag:s4], $0x0  }
0x19: {  	s7 =	sld [smem:$0x3F9F]  }
0x1a: {  	s8 =	sadd.s32 $0xFFFFE003, lr  }
0x1b: {  	s9 =	sadd.s32 $0xFFFFFEF7, lr;
	s5 =	simm.s32 $0xFFFFFFFF;
	p2 =	slt.u32 s8, $0xFFFFF086  }
0x1c: {  	p1 =	slt.u32 s9, $0xF7A;
	s5 =	simm.s32 @!p2 $0x0  }
0x1d: {  	s5 =	simm.s32 @p1 $0x1;
	p0 =	seq.s32 s7, s2  }
0x1e: {  	s7 =	smul.u32 @!p0 $0xF7A, s2;
	p2 =	seq.s32 @!p0 s5, $0x0  }
0x1f: {  	s9 =	smul.u32 $0xF7A, s1;
	s8 =	simm.s32 @!p0 $0x1BF5;
	p2 =	por !p2, p0  }
0x20: {  	[sflag:s8] =	ssyncset.s32 @!p0 $0xFFFFF086;
	s6 =	sadd.s32 @!p0 s3, s7;
	s7 =	simm.s32 @!p0 $0x108  }
0x21: {  	s3 =	sadd.s32 s3, s9;
	s6 =	sadd.s32 @!p0 $0x88, s6;
	s7 =	simm.s32 @p2 $0x1082  }
0x22: {  	[simem:s7], [sflag:s8] =	dma.local @!p0 [hbm:s6], $0xF7A  }
0x23: {  	s9 =	sor.u32 $0xD0000000, s2;
	s6 =	simm.s32 $0x108;
	_ =	swait.ge @!p0 [sflag:s8], $0x0  }
0x24: {  	s3 =	sadd.s32 $0x88, s3;
	s6 =	simm.s32 @!p1 $0x1082;
	[sflag:s4] =	ssyncset.s32 $0xFFFFF086  }
0x25: {  	[simem:s6], [sflag:s4] =	dma.local [hbm:s3], $0xF7A  }
0x26: {  	[smem:$0x3F9F] =	sst s1;
	(tag) =	ssettag s2;
	_ =	strace s9  }
0x27: {  	s1 =	sld [smem:$0x3FAF]  }
0x28: {  	s2 =	sld [smem:$0x3FB0]  }
0x29: {  	s4 =	sld [smem:$0x3FB2]  }
0x2a: {  	p0 =	seq.s32 s5, $0x0;
	s5 =	sld [smem:$0x3FB3]  }
0x2b: {  	s6 =	sld [smem:$0x3FB4]  }
0x2c: {  	s7 =	sld [smem:$0x3FB5]  }
0x2d: {  	s3 =	simm.s32 $0x108;
	s8 =	sld [smem:$0x3FB6]  }
0x2e: {  	s3 =	simm.s32 @!p0 $0x1082;
	s9 =	sld [smem:$0x3FB7]  }
0x2f: {  	lr =	sadd.s32 s0, s3;
	s0 =	sld [smem:$0x3FAE]  }
0x30: {  	s3 =	sld [smem:$0x3FB1]  }
0x31: {  	[smem:$0x3FBA] =	sst s10  }
0x32: {  	s10 =	sld [smem:$0x3FB8];
	_ =	sdelay $0x3  }
0x33: {  	p0 =	seq.s32 s10, $0x1;
	s10 =	sld [smem:$0x3FBA];
	_ =	sdelay $0x3  }
0x34: {  	[smem:$0x3FBA] =	sst s10  }
0x35: {  	s10 =	sld [smem:$0x3FB9];
	_ =	sdelay $0x3  }
0x36: {  	p1 =	seq.s32 s10, $0x1;
	s10 =	sld [smem:$0x3FBA];
	_ =	sdelay $0x3  }
0x37: {  	[smem:$0x3FBA] =	sst s10  }
0x38: {  	s10 =	sld [smem:$0x3FBB]  }
0x39: {  	_ = 	snop;
	(pc) =	sbr.ind lr, $3  }
0x3a: {  	_ = 	snop  }
0x3b: {  	_ = 	snop  }
0x3c: {  	p2 =	seq.s32 s10, $0x1;
	s10 =	sld [smem:$0x3FBA]  }
0x3d: {  	_ =	shalt  }
0x3e: {  	_ =	shalt  }
0x3f: {  	_ =	shalt  }
0x40: {  	_ =	shalt  }
0x41: {  	_ =	shalt  }
0x42: {  	_ =	shalt  }
0x43: {  	_ =	shalt  }
0x44: {  	_ =	shalt  }
0x45: {  	_ =	shalt  }
0x46: {  	_ =	shalt  }
0x47: {  	_ =	shalt  }
0x48: {  	_ =	shalt  }
0x49: {  	_ =	shalt  }
0x4a: {  	_ =	shalt  }
0x4b: {  	_ =	shalt  }
0x4c: {  	_ =	shalt  }
0x4d: {  	_ =	shalt  }
0x4e: {  	_ =	shalt  }
0x4f: {  	_ =	shalt  }
0x50: {  	_ =	shalt  }
0x51: {  	_ =	shalt  }
0x52: {  	_ =	shalt  }
0x53: {  	_ =	shalt  }
0x54: {  	_ =	shalt  }
0x55: {  	_ =	shalt  }
0x56: {  	_ =	shalt  }
0x57: {  	_ =	shalt  }
0x58: {  	_ =	shalt  }
0x59: {  	_ =	shalt  }
0x5a: {  	_ =	shalt  }
0x5b: {  	_ =	shalt  }
0x5c: {  	_ =	shalt  }
0x5d: {  	_ =	shalt  }
0x5e: {  	_ =	shalt  }
0x5f: {  	_ =	shalt  }
0x60: {  	_ =	shalt  }
0x61: {  	_ =	shalt  }
0x62: {  	_ =	shalt  }
0x63: {  	_ =	shalt  }
0x64: {  	_ =	shalt  }
0x65: {  	_ =	shalt  }
0x66: {  	_ =	shalt  }
0x67: {  	_ =	shalt  }
0x68: {  	_ =	shalt  }
0x69: {  	_ =	shalt  }
0x6a: {  	_ =	shalt  }
0x6b: {  	_ =	shalt  }
0x6c: {  	_ =	shalt  }
0x6d: {  	_ =	shalt  }
0x6e: {  	_ =	shalt  }
0x6f: {  	_ =	shalt  }
0x70: {  	_ =	shalt  }
0x71: {  	_ =	shalt  }
0x72: {  	_ =	shalt  }
0x73: {  	_ =	shalt  }
0x74: {  	_ =	shalt  }
0x75: {  	_ =	shalt  }
0x76: {  	_ =	shalt  }
0x77: {  	_ =	shalt  }
0x78: {  	_ =	shalt  }
0x79: {  	_ =	shalt  }
0x7a: {  	_ =	shalt  }
0x7b: {  	_ =	shalt  }
0x7c: {  	_ =	shalt  }
0x7d: {  	_ =	shalt  }
0x7e: {  	_ =	shalt  }
0x7f: {  	_ =	shalt  }
0x80: {  	_ =	shalt  }
0x81: {  	_ =	shalt  }
0x82: {  	_ =	shalt  }
0x83: {  	_ =	shalt  }
0x84: {  	_ =	shalt  }
0x85: {  	_ =	shalt  }
0x86: {  	_ =	shalt  }
0x87: {  	_ =	shalt  }
.Lfunc_end0:
.L_simem_size_0:
called_computation_lowered:
.L_overlay_start_0:
0x88: {  	s2 =	sld [smem:$0x3FD9]  }
0x89: {  	s3 =	sld [smem:$0x3FFE];
	_ =	sdelay $0x1  }
0x8a: {  	s1 =	srdreg.scid  }
0x8b: {  	s0 =	sand.u32 $0x1, s1  }
0x8c: {  	s14 =	sshll.u32 s0, $0xA;
	s2 =	sadd.s32 s3, s2  }
0x8d: {  	s2 =	sadd.s32 s2, s14  }
0x8e: {  	[smem:$0x3FC6] =	sst s2  }
0x8f: {  	_ = 	snop  }
0x90: {  	s2 =	sld [smem:$0x3FD0];
	_ =	sdelay $0x2  }
0x91: {  	s4 =	simm.s32 $0xA;
	s5 =	simm.s32 $0x10;
	s15 =	sld [smem:$0x3FC8]  }
0x92: {  	[smem:s5], [sflag:s4] =	dma.local [hbm:s2], $0x1  }
0x93: {  	_ =	swait.eq [sflag:s4], $0x1  }
0x94: {  	[sflag:s4] =	ssyncset.done $0x0  }
0x95: {  	[sflag:s4] =	ssyncadd.s32 $0xFFFFFFFF  }
0x96: {  	s16 =	sld [smem:$0x10];
	(tm) =	ssettm $0x1  }
0x97: {  	s17 =	sld [smem:$0x3FFB];
	_ =	sdelay $0x3  }
0x98: {  	_ =	strace s17  }
0x99: {  	s4 =	sld [smem:$0x3FFC];
	_ =	sdelay $0x3  }
0x9a: {  	_ =	strace s4  }
0x9b: {  	s4 =	sld [smem:$0x3FFD];
	_ =	sdelay $0x3  }
0x9c: {  	_ =	strace s4  }
0x9d: {  	_ =	strace $0x8FFFFFFF  }
0x9e: {  	s18 =	sld [smem:$0x3FDB];
	_ =	sdelay $0x1  }
0x9f: {  	s19 =	simm.s32 $_scs_section_size  }
0xa0: {  	s6 =	simm.s32 $_size__tile_overlayer_lowered;
	s7 =	simm.s32 $_tile_overlayer_lowered  }
0xa1: {  	s22 =	simm.s32 $0x1BFF;
	s21 =	sshll.u32 s7, $0x1;
	s4 =	sadd.s32 s19, s18  }
0xa2: {  	s8 =	simm.s32 $0x0;
	s20 =	sshll.u32 s6, $0x1;
	s6 =	sadd.s32 s21, s4  }
0xa3: {  	[timem:s8], [sflag:s22] =	dma.local [hbm:s6], s20  }
0xa4: {  	_ =	swait.ge [sflag:s22], s20  }
0xa5: {  	s5 =	ssub.s32 $0x0, s20;
	[sflag:s22] =	ssyncset.done $0x0  }
0xa6: {  	[sflag:s22] =	ssyncadd.s32 s5;
	_ =	sdelay $0x1  }
0xa7: {  	s23 =	simm.s32 $0x1B8B  }
0xa8: {  	_ =	swait.ge [sflag:s23], $0x1  }
0xa9: {  	[sflag:s23] =	ssyncset.done $0x0  }
0xaa: {  	s25 =	simm.s32 $0x1B8E;
	s24 =	sld [smem:$0x3FFE];
	[sflag:s23] =	ssyncadd.s32 $0xFFFFFFFF  }
0xab: {  	s26 =	simm.s32 $execute0_lowered;
	[smem:$0x3FD2] =	sst s25  }
0xac: {  	s6 =	sshll.u32 s26, $0x1;
	_ =	strace $0x80000046;
	[dreg:$0x1] =	wrdreg $0xFFFFFFFF  }
0xad: {  	s28 =	simm.s32 $_size_execute0_lowered;
	s4 =	sadd.s32 s4, s6;
	[dreg:$0x0] =	wrdreg $0x0  }
0xae: {  	s6 =	sshll.u32 s28, $0x1;
	[dreg:$0x2] =	wrdreg s4  }
0xaf: {  	[dreg:$0x3] =	wrdreg s6  }
0xb0: {  	[dreg:$0x4] =	wrdreg $0xC0  }
0xb1: {  	_ =	task [dreg:s8], $0x5FFFF  }
0xb2: {  	[dreg:$0x1] =	wrdreg $0xFFFFFFFF  }
0xb3: {  	[dreg:$0x0] =	wrdreg $0x60  }
0xb4: {  	[dreg:$0x2] =	wrdreg s15  }
0xb5: {  	[dreg:$0x3] =	wrdreg s16  }
0xb6: {  	[dreg:$0x4] =	wrdreg s24  }
0xb7: {  	[dreg:$0x5] =	wrdreg $0x9  }
0xb8: {  	_ =	task.clear_ibuf [dreg:s8], $0x6FFFF;
	_ =	strace $0x90000046  }
0xb9: {  	s29 =	simm.s32 $0x9;
	_ =	strace $0x80000048  }
0xba: {  	_ =	swait.ge [sflag:s29], $0x1  }
0xbb: {  	[sflag:s29] =	ssyncadd.s32 $0xFFFFFFFF  }
0xbc: {  	_ =	strace $0x90000048  }
0xbd: {  	_ =	sfence  }
0xbe: {  	s30 =	sld [smem:$0x0];
	_ =	sdelay $0x2  }
0xbf: {  	s31 =	sshll.u32 s1, $0xD;
	s1 =	sshrl.u32 s1, $0x2  }
0xc0: {  	s3 =	sand.u32 $0x4000, s31;
	s1 =	sadd.s32 s1, s30  }
0xc1: {  	s0 =	sor.u32 s3, s0;
	s1 =	sshll.u32 s1, $0x11  }
0xc2: {  	s0 =	sor.u32 s1, s0  }
0xc3: {  	s0 =	sadd.s32 $0x8F2B, s0  }
0xc4: {  	[sflag:s0] =	ssyncadd.remote.s32 $0x1  }
0xc5: {  	_ =	sfence.sel $0xFFFF  }
0xc6: {  	[dreg:$0x0] =	wrdreg $0xFFFFFFFF;
	(pc) =	sbr.abs _section_cstart, $3  }
0xc7: {  	[dreg:$0x1] =	wrdreg $0xFFFFFFFF  }
0xc8: {  	_ =	task.clear_ibuf [dreg:s8], $0x2FFFF;
	_ =	strace $0x9FFFFFFF  }
0xc9: {  	(tm) =	ssettm $0x7FFFFFFF  }
tec
execute0_lowered:
.L_overlay_start_1:
0x0: {  	(tag) =	ssettag $0x1  }
0x1: {  	s1 =	rddreg [dreg:$0x0]  }
0x2: {  	s6 =	rddreg [dreg:$0x1]  }
0x3: {  	s4 =	rddreg [dreg:$0x2]  }
0x4: {  	s0 =	rddreg [dreg:$0x3]  }
0x5: {  	s3 =	simm.s32 $0x0;
	s2 =	stileid.u32;
	s5 =	srdreg.scid  }
0x6: {  	s11 =	simm.s32 $0x1880;
	s12 =	simm.s32 $0x2080;
	s13 =	simm.s32 $0x2880  }
0x7: {  	s14 =	simm.s32 $0x3080;
	s15 =	simm.s32 $0x3880;
	s16 =	simm.s32 $0x4080  }
0x8: {  	s17 =	simm.s32 $0x4880;
	s18 =	simm.s32 $0x5080;
	s19 =	simm.s32 $0x5880  }
0x9: {  	s20 =	simm.s32 $0x6080;
	s21 =	simm.s32 $0x6880;
	s22 =	simm.s32 $0x7080  }
0xa: {  	s23 =	simm.s32 $0x7880;
	s24 =	simm.s32 $0x1;
	s25 =	simm.s32 $0x0  }
0xb: {  	[smem:$0x7FF] =	sst s3;
	s7 =	sshll.u32 s2, $0xF;
	s5 =	sand.u32 $0x1, s5  }
0xc: {  	s9 =	sshll.u32 s2, $0xA;
	_ =	strace $0x80000047;
	s7 =	sadd.s32 s7, s4  }
0xd: {  	s29 =	ssub.s32 $0x2, s5;
	s10 =	sshll.u32 s5, $0x9;
	s5 =	sshll.u32 s5, $0xE  }
0xe: {  	s8 =	sshrl.u32 s29, $0x1;
	s30 =	sor.u32 s10, s9;
	s5 =	sadd.s32 s5, s7  }
0xf: {  	v2 =	vlaneseq.u32;
	s7 =	simm.s32 $0x2;
	s9 =	simm.s32 $0x880;
	s10 =	simm.s32 $0x1080  }
0x10: {  	vm0 =	vmmov $0xffff;
	v1 =	vshrl.u32 v2, $0x3;
	s4 =	ssub.s32 s29, s8;
	s31 =	sshrl.u32 s30, $0x3;
	s5 =	sadd.s32 $0x1400, s5  }
0x11: {  	v0 =	vand.u32 $0x7, v2;
	v2 =	vor.u32 $0x8, v2;
	v1 =	vmul.u32 $0x8, v1;
	s8 =	simm.s32 $0x80;
	s4 =	smax.u32 s4, $0x1;
	s6 =	sadd.s32 s31, s6  }
.LBB2_1:
0x12: {  	s26 =	smov.u32 s5;
	s28 =	simm.s32 $0x0  }
.LBB2_2:
0x13: {  	s29 =	sadd.s32 s28, s6  }
0x14: {  	[tilespmem:s3], [sflag:$0x2] =	stream.linear.gather [hbm4b:s29+s3], $0x80, $0x38;
	[tilespmem:$0x8080] =	vst v63  }
0x15: {  	_ =	swait.ge [sflag:s7], $0x80  }
0x16: {  	[sflag:s7] =	ssyncset.done $0x0  }
0x17: {  	[sflag:s7] =	ssyncadd.s32 $0xFFFFFF80  }
0x18: {  	v3 =	vld [tilespmem:$0x0];
	_ =	sdelay $0x4  }
0x19: {  	v4 =	vshll.u32 v3, $0x1  }
0x1a: {  	v3 =	vand.u32 $0x7, v3;
	v4 =	vand.u32 $0xFFFFFFF0, v4  }
0x1b: {  	v3 =	vor.u32 v3, v4  }
0x1c: {  	v4 =	vperm.xlane v3, v0;
	_ =	sdelay $0x1  }
0x1d: {  	v3 =	vperm.xlane v3, v2;
	v4 =	vadd.s32 v1, v4;
	_ =	sdelay $0x1  }
0x1e: {  	v3 =	vadd.s32 v1, v3;
	_ =	sdelay $0x2  }
0x1f: {  	[tilespmem:s8], [sflag:$0x1] =	stream.indirect_vreg.gather [hbm4b:s1+s3], $0x80, v4, vm0, $0xb8;
	[tilespmem:$0x8080] =	vst v63  }
0x20: {  	_ = 	snop  }
0x21: {  	[tilespmem:s9], [sflag:$0x1] =	stream.indirect_vreg.gather [hbm4b:s1+s3], $0x80, v3, vm0, $0xb8;
	[tilespmem:$0x8080] =	vst v63  }
0x22: {  	v3 =	vld [tilespmem:$0x10];
	_ =	sdelay $0x4  }
0x23: {  	v57 =	vshll.u32 v3, $0x1  }
0x24: {  	v3 =	vand.u32 $0x7, v3;
	v4 =	vand.u32 $0xFFFFFFF0, v57  }
0x25: {  	v3 =	vor.u32 v3, v4  }
0x26: {  	v4 =	vperm.xlane v3, v0;
	_ =	sdelay $0x1  }
0x27: {  	v3 =	vperm.xlane v3, v2;
	v4 =	vadd.s32 v1, v4;
	_ =	sdelay $0x1  }
0x28: {  	v3 =	vadd.s32 v1, v3;
	_ =	sdelay $0x2  }
0x29: {  	[tilespmem:s10], [sflag:$0x1] =	stream.indirect_vreg.gather [hbm4b:s1+s3], $0x80, v4, vm0, $0xb8;
	[tilespmem:$0x8080] =	vst v63  }
0x2a: {  	_ = 	snop  }
0x2b: {  	[tilespmem:s11], [sflag:$0x1] =	stream.indirect_vreg.gather [hbm4b:s1+s3], $0x80, v3, vm0, $0xb8;
	[tilespmem:$0x8080] =	vst v63  }
0x2c: {  	v3 =	vld [tilespmem:$0x20];
	_ =	sdelay $0x4  }
0x2d: {  	v58 =	vshll.u32 v3, $0x1  }
0x2e: {  	v3 =	vand.u32 $0x7, v3;
	v4 =	vand.u32 $0xFFFFFFF0, v58  }
0x2f: {  	v3 =	vor.u32 v3, v4  }
0x30: {  	v4 =	vperm.xlane v3, v0;
	_ =	sdelay $0x1  }
0x31: {  	v3 =	vperm.xlane v3, v2;
	v4 =	vadd.s32 v1, v4;
	_ =	sdelay $0x1  }
0x32: {  	v3 =	vadd.s32 v1, v3;
	_ =	sdelay $0x2  }
0x33: {  	[tilespmem:s12], [sflag:$0x1] =	stream.indirect_vreg.gather [hbm4b:s1+s3], $0x80, v4, vm0, $0xb8;
	[tilespmem:$0x8080] =	vst v63  }
0x34: {  	_ = 	snop  }
0x35: {  	[tilespmem:s13], [sflag:$0x1] =	stream.indirect_vreg.gather [hbm4b:s1+s3], $0x80, v3, vm0, $0xb8;
	[tilespmem:$0x8080] =	vst v63  }
0x36: {  	v3 =	vld [tilespmem:$0x30];
	_ =	sdelay $0x4  }
0x37: {  	v59 =	vshll.u32 v3, $0x1  }
0x38: {  	v3 =	vand.u32 $0x7, v3;
	v4 =	vand.u32 $0xFFFFFFF0, v59  }
0x39: {  	v3 =	vor.u32 v3, v4  }
0x3a: {  	v4 =	vperm.xlane v3, v0;
	_ =	sdelay $0x1  }
0x3b: {  	v3 =	vperm.xlane v3, v2;
	v4 =	vadd.s32 v1, v4;
	_ =	sdelay $0x1  }
0x3c: {  	v3 =	vadd.s32 v1, v3;
	_ =	sdelay $0x2  }
0x3d: {  	[tilespmem:s14], [sflag:$0x1] =	stream.indirect_vreg.gather [hbm4b:s1+s3], $0x80, v4, vm0, $0xb8;
	[tilespmem:$0x8080] =	vst v63  }
0x3e: {  	_ = 	snop  }
0x3f: {  	[tilespmem:s15], [sflag:$0x1] =	stream.indirect_vreg.gather [hbm4b:s1+s3], $0x80, v3, vm0, $0xb8;
	[tilespmem:$0x8080] =	vst v63  }
0x40: {  	v3 =	vld [tilespmem:$0x40];
	_ =	sdelay $0x4  }
0x41: {  	v60 =	vshll.u32 v3, $0x1  }
0x42: {  	v3 =	vand.u32 $0x7, v3;
	v4 =	vand.u32 $0xFFFFFFF0, v60  }
0x43: {  	v3 =	vor.u32 v3, v4  }
0x44: {  	v4 =	vperm.xlane v3, v0;
	_ =	sdelay $0x1  }
0x45: {  	v3 =	vperm.xlane v3, v2;
	v4 =	vadd.s32 v1, v4;
	_ =	sdelay $0x1  }
0x46: {  	v3 =	vadd.s32 v1, v3;
	_ =	sdelay $0x2  }
0x47: {  	[tilespmem:s16], [sflag:$0x1] =	stream.indirect_vreg.gather [hbm4b:s1+s3], $0x80, v4, vm0, $0xb8;
	[tilespmem:$0x8080] =	vst v63  }
0x48: {  	_ = 	snop  }
0x49: {  	[tilespmem:s17], [sflag:$0x1] =	stream.indirect_vreg.gather [hbm4b:s1+s3], $0x80, v3, vm0, $0xb8;
	[tilespmem:$0x8080] =	vst v63  }
0x4a: {  	v3 =	vld [tilespmem:$0x50];
	_ =	sdelay $0x4  }
0x4b: {  	v61 =	vshll.u32 v3, $0x1  }
0x4c: {  	v3 =	vand.u32 $0x7, v3;
	v4 =	vand.u32 $0xFFFFFFF0, v61  }
0x4d: {  	v3 =	vor.u32 v3, v4  }
0x4e: {  	v4 =	vperm.xlane v3, v0;
	_ =	sdelay $0x1  }
0x4f: {  	v3 =	vperm.xlane v3, v2;
	v4 =	vadd.s32 v1, v4;
	_ =	sdelay $0x1  }
0x50: {  	v3 =	vadd.s32 v1, v3;
	_ =	sdelay $0x2  }
0x51: {  	[tilespmem:s18], [sflag:$0x1] =	stream.indirect_vreg.gather [hbm4b:s1+s3], $0x80, v4, vm0, $0xb8;
	[tilespmem:$0x8080] =	vst v63  }
0x52: {  	_ = 	snop  }
0x53: {  	[tilespmem:s19], [sflag:$0x1] =	stream.indirect_vreg.gather [hbm4b:s1+s3], $0x80, v3, vm0, $0xb8;
	[tilespmem:$0x8080] =	vst v63  }
0x54: {  	v3 =	vld [tilespmem:$0x60];
	_ =	sdelay $0x4  }
0x55: {  	v62 =	vshll.u32 v3, $0x1  }
0x56: {  	v3 =	vand.u32 $0x7, v3;
	v4 =	vand.u32 $0xFFFFFFF0, v62  }
0x57: {  	v3 =	vor.u32 v3, v4  }
0x58: {  	v4 =	vperm.xlane v3, v0;
	_ =	sdelay $0x1  }
0x59: {  	v3 =	vperm.xlane v3, v2;
	v4 =	vadd.s32 v1, v4;
	_ =	sdelay $0x1  }
0x5a: {  	v3 =	vadd.s32 v1, v3;
	_ =	sdelay $0x2  }
0x5b: {  	[tilespmem:s20], [sflag:$0x1] =	stream.indirect_vreg.gather [hbm4b:s1+s3], $0x80, v4, vm0, $0xb8;
	[tilespmem:$0x8080] =	vst v63  }
0x5c: {  	_ = 	snop  }
0x5d: {  	[tilespmem:s21], [sflag:$0x1] =	stream.indirect_vreg.gather [hbm4b:s1+s3], $0x80, v3, vm0, $0xb8;
	[tilespmem:$0x8080] =	vst v63  }
0x5e: {  	v3 =	vld [tilespmem:$0x70];
	_ =	sdelay $0x4  }
0x5f: {  	v63 =	vshll.u32 v3, $0x1  }
0x60: {  	v3 =	vand.u32 $0x7, v3;
	v4 =	vand.u32 $0xFFFFFFF0, v63  }
0x61: {  	v3 =	vor.u32 v3, v4  }
0x62: {  	v4 =	vperm.xlane v3, v0;
	_ =	sdelay $0x1  }
0x63: {  	v3 =	vperm.xlane v3, v2;
	v4 =	vadd.s32 v1, v4;
	_ =	sdelay $0x1  }
0x64: {  	v3 =	vadd.s32 v1, v3;
	_ =	sdelay $0x2  }
0x65: {  	[tilespmem:s22], [sflag:$0x1] =	stream.indirect_vreg.gather [hbm4b:s1+s3], $0x80, v4, vm0, $0xb8;
	[tilespmem:$0x8080] =	vst v63  }
0x66: {  	_ = 	snop  }
0x67: {  	[tilespmem:s23], [sflag:$0x1] =	stream.indirect_vreg.gather [hbm4b:s1+s3], $0x80, v3, vm0, $0xb8;
	[tilespmem:$0x8080] =	vst v63  }
0x68: {  	_ =	swait.ge [sflag:s24], $0x8000  }
0x69: {  	p0 =	sne.s32 s28, $0x30;
	[sflag:s24] =	ssyncset.done $0x0  }
.Ltmp0:
0x6a: {  	[sflag:s24] =	ssyncadd.s32 $0xFFFF8000;
	(pc) =	sbr.rel @p0 .LBB2_2-.Ltmp0, $4  }
0x6b: {  	[hbm4b:s26+s3] =	stream.linear.scatter [tilespmem:s8], [sflag:$0x2], $0x8000, $0x38;
	[tilespmem:$0x8080] =	vst v63  }
0x6c: {  	_ =	swait.ge [sflag:s7], $0x8000  }
0x6d: {  	[sflag:s7] =	ssyncset.done $0x0  }
0x6e: {  	s28 =	sadd.s32 $0x10, s28;
	s26 =	sadd.s32 $0x1000, s26;
	[sflag:s7] =	ssyncadd.s32 $0xFFFF8000  }
0x6f: {  	s25 =	sadd.s32 $0x1, s25  }
0x70: {  	p0 =	sne.s32 s25, s4  }
.Ltmp1:
0x71: {  	_ = 	snop;
	(pc) =	sbr.rel @p0 .LBB2_1-.Ltmp1, $1  }
0x72: {  	_ =	sdelay $0x3  }
0x73: {  	_ =	sfence.sel $0x180000  }
0x74: {  	[bflag:$0x0] =	sbarrier.arrive $0xFFFF  }
0x75: {  	p0 =	sne.s32 s2, $0x0;
	_ =	strace $0x90000047  }
0x76: {  	s0 =	sadd.s32 @!p0 $0x100000, s0;
	[bflag:$0x2] =	sbarrier.arrive $0xFFFF  }
0x77: {  	[sflag:s0] =	ssyncadd.tile.s32 @!p0 $0x1;
	_ =	shalt  }
.Lfunc_end2:
_tile_overlayer_lowered:
.L_overlay_start_2:
0x78: {  	(tag) =	ssettag $0x2  }
0x79: {  	s0 =	rddreg [dreg:$0x0];
	s2 =	stileid.u32  }
0x7a: {  	s1 =	rddreg [dreg:$0x1];
	p0 =	sne.s32 s2, $0x0  }
0x7b: {  	s3 =	rddreg [dreg:$0x2];
	[bflag:$0x3] =	sbarrier.arrive $0xFFFF;
	s2 =	simm.s32 @!p0 $0x1C02  }
0x7c: {  	[timem:s3], [sflag:s2] =	dma.local @!p0 [hbm:s0], s1  }
0x7d: {  	s0 =	simm.s32 @!p0 $0x2  }
0x7e: {  	_ =	swait.ge @!p0 [sflag:s0], s1  }
0x7f: {  	s1 =	ssub.s32 @!p0 $0x0, s1;
	[sflag:s0] =	ssyncset.done @!p0 $0x0  }
0x80: {  	[sflag:s0] =	ssyncadd.s32 @!p0 s1  }
0x81: {  	[bflag:$0x3] =	sbarrier.arrive $0xFFFF  }
0x82: {  	_ =	shalt  }

</sc_bundles>
